<compile_context>
chip_gen: v7x
topology: tpu7x:2x2x1
jax: 0.10.2.dev20260603
libtpu: 0.0.44.dev20260713+nightly
codegen_flags: <defaults>
</compile_context>

<pallas_src>
import functools

import jax
import jax.numpy as jnp
from jax import lax
from jax.experimental import pallas as pl
from jax.experimental.pallas import tpu as pltpu
from jax.experimental.pallas import tpu_sc as plsc

BATCH = 16384
NUM_ROWS = 1000000
EMBED_DIM = 32
FEAT = 16
NUM_CORES = 2
NUM_SUBCORES = 16
NUM_WORKERS = NUM_CORES * NUM_SUBCORES
BPW = BATCH // NUM_WORKERS
LANES = 16
TC_BLOCK = 40960


def _tc_project(utab_t, itab_t, wu_bcast, wi_bcast):

    def body(wu_ref, wi_ref, ut_ref, it_ref, ou_ref, oi_ref):
        ou_ref[...] = jnp.sum(ut_ref[...] * wu_ref[:, 0:1], axis=0)
        oi_ref[...] = jnp.sum(it_ref[...] * wi_ref[:, 0:1], axis=0)

    grid = pl.cdiv(NUM_ROWS, TC_BLOCK)
    return pl.pallas_call(
        body,
        grid=(grid,),
        in_specs=[
            pl.BlockSpec((EMBED_DIM, 128), lambda i: (0, 0)),
            pl.BlockSpec((EMBED_DIM, 128), lambda i: (0, 0)),
            pl.BlockSpec((EMBED_DIM, TC_BLOCK), lambda i: (0, i)),
            pl.BlockSpec((EMBED_DIM, TC_BLOCK), lambda i: (0, i)),
        ],
        out_specs=[
            pl.BlockSpec((TC_BLOCK,), lambda i: (i,)),
            pl.BlockSpec((TC_BLOCK,), lambda i: (i,)),
        ],
        out_shape=[
            jax.ShapeDtypeStruct((NUM_ROWS,), jnp.float32),
            jax.ShapeDtypeStruct((NUM_ROWS,), jnp.float32),
        ],
    )(wu_bcast, wi_bcast, utab_t, itab_t)


def _sc_combine(user, item, feat_t, proj_u, proj_i, w_flat, fcb16, gb16):
    mesh = plsc.VectorSubcoreMesh(core_axis_name="c", subcore_axis_name="s")

    @functools.partial(
        pl.kernel,
        out_type=jax.ShapeDtypeStruct((BATCH,), jnp.float32),
        mesh=mesh,
        compiler_params=pltpu.CompilerParams(needs_layout_passes=False),
        scratch_types=[
            pltpu.VMEM((BPW,), jnp.int32),
            pltpu.VMEM((BPW,), jnp.int32),
            pltpu.VMEM((BPW,), jnp.float32),
            pltpu.VMEM((BPW,), jnp.float32),
            pltpu.VMEM((FEAT, BPW), jnp.float32),
            pltpu.VMEM((80,), jnp.float32),
            pltpu.VMEM((LANES,), jnp.float32),
            pltpu.VMEM((LANES,), jnp.float32),
            pltpu.VMEM((BPW,), jnp.float32),
            pltpu.SemaphoreType.DMA,
            pltpu.SemaphoreType.DMA,
        ],
    )
    def body(user_h, item_h, feat_h, pju_h, pji_h, w_h, fcb_h, gb_h,
             out_h, uidx, iidx, pu, pi, fslab, wv, fcbv, gbv, outv,
             usem, isem):
        wid = lax.axis_index("s") * NUM_CORES + lax.axis_index("c")
        base = pl.multiple_of(wid * BPW, BPW)
        pltpu.sync_copy(user_h.at[pl.ds(base, BPW)], uidx)
        pltpu.sync_copy(item_h.at[pl.ds(base, BPW)], iidx)
        cu = pltpu.async_copy(pju_h.at[uidx], pu, usem)
        ci = pltpu.async_copy(pji_h.at[iidx], pi, isem)
        pltpu.sync_copy(feat_h.at[:, pl.ds(base, BPW)], fslab)
        pltpu.sync_copy(w_h, wv)
        pltpu.sync_copy(fcb_h, fcbv)
        pltpu.sync_copy(gb_h, gbv)
        wfv = wv[pl.ds(64, LANES)]
        biasv = fcbv[...] + gbv[...]
        cu.wait()
        ci.wait()

        def chunk(g, carry):
            b0 = g * LANES
            acc = pu[pl.ds(b0, LANES)] + pi[pl.ds(b0, LANES)] + biasv
            for f in range(FEAT):
                acc = acc + fslab[f, pl.ds(b0, LANES)] * wfv[f]
            outv[pl.ds(b0, LANES)] = acc
            return carry

        lax.fori_loop(0, BPW // LANES, chunk, 0)
        pltpu.sync_copy(outv, out_h.at[pl.ds(base, BPW)])

    return body(user, item, feat_t, proj_u, proj_i, w_flat, fcb16, gb16)


def kernel(user, item, item_feature, user_table, item_table, fc_w, fc_b,
           global_bias):
    w_flat = fc_w.reshape(-1)
    wu_bcast = jnp.broadcast_to(w_flat[:EMBED_DIM, None], (EMBED_DIM, 128))
    wi_bcast = jnp.broadcast_to(
        w_flat[EMBED_DIM:2 * EMBED_DIM, None], (EMBED_DIM, 128))
    fcb16 = jnp.broadcast_to(fc_b, (LANES,))
    gb16 = jnp.broadcast_to(global_bias, (LANES,))
    proj_u, proj_i = _tc_project(user_table.T, item_table.T,
                                 wu_bcast, wi_bcast)
    out = _sc_combine(user, item, item_feature.T, proj_u, proj_i,
                      w_flat, fcb16, gb16)
    return out.reshape(BATCH, 1)

# --- scband reference (transcript-rebuilt; emitter-appended) ---
"""Pipeline reference for scband-linear-regression-rating-prediction-15290083574343 (READ-ONLY COPY).

The authoritative reference and input builder live on the scoring server;
editing this copy changes nothing except your own understanding.
"""

import jax, jax.numpy as jnp
import numpy as np

NUM_USERS = 1000000
NUM_ITEMS = 1000000
EMBED_DIM = 32
ITEM_FEATURE_SIZE = 16
BATCH = 16384
INPUT_SIZE = EMBED_DIM * 2 + ITEM_FEATURE_SIZE


def setup_inputs(seed: int = 0) -> dict:
    key = jax.random.key(seed)
    k_user, k_item, k_feat, k_ue, k_ie, k_w, k_b = jax.random.split(key, 7)
    user = jax.random.randint(k_user, (BATCH,), 0, NUM_USERS, dtype=jnp.int64 if jax.config.jax_enable_x64 else jnp.int32)
    item = jax.random.randint(k_item, (BATCH,), 0, NUM_ITEMS, dtype=jnp.int64 if jax.config.jax_enable_x64 else jnp.int32)
    item_feature = jax.random.normal(k_feat, (BATCH, ITEM_FEATURE_SIZE), dtype=jnp.float32)
    user_table = jax.random.normal(k_ue, (NUM_USERS, EMBED_DIM), dtype=jnp.float32)
    item_table = jax.random.normal(k_ie, (NUM_ITEMS, EMBED_DIM), dtype=jnp.float32)
    bound = 1.0 / np.sqrt(INPUT_SIZE)
    fc_w = jax.random.uniform(k_w, (INPUT_SIZE, 1), dtype=jnp.float32, minval=-bound, maxval=bound)
    fc_b = jax.random.uniform(k_b, (1,), dtype=jnp.float32, minval=-bound, maxval=bound)
    global_bias = jnp.zeros((1,), dtype=jnp.float32)
    return {
        'user': user,
        'item': item,
        'item_feature': item_feature,
        'user_table': user_table,
        'item_table': item_table,
        'fc_w': fc_w,
        'fc_b': fc_b,
        'global_bias': global_bias,
    }


def reference(user, item, item_feature, user_table, item_table, fc_w, fc_b, global_bias):
    user_emb = jnp.take(user_table, user, axis=0)
    item_emb = jnp.take(item_table, item, axis=0)
    input_layer = jnp.concatenate([user_emb, item_emb, item_feature], axis=-1)
    x = input_layer @ fc_w + fc_b
    output = x + global_bias
    return output

if __name__ == "__main__":
    import jax
    _d = setup_inputs()
    print(jax.jit(kernel)(*tuple(_d.values())))

</pallas_src>

<mosaic_0001>
#map = affine_map<(d0, d1) -> (0)>
#map1 = affine_map<(d0, d1) -> (0, 0)>
module attributes {stable_mosaic.version = 14 : i64} {
  func.func @body(%arg0: i32, %arg1: i32, %arg2: memref<16384xi32, #tpu.memory_space<hbm>>, %arg3: memref<16384xi32, #tpu.memory_space<hbm>>, %arg4: memref<16x16384xf32, #tpu.memory_space<hbm>>, %arg5: memref<1000000xf32, #tpu.memory_space<hbm>>, %arg6: memref<1000000xf32, #tpu.memory_space<hbm>>, %arg7: memref<80xf32, #tpu.memory_space<hbm>>, %arg8: memref<16xf32, #tpu.memory_space<hbm>>, %arg9: memref<16xf32, #tpu.memory_space<hbm>>, %arg10: memref<16384xf32, #tpu.memory_space<hbm>>, %arg11: memref<512xi32, #tpu.memory_space<vmem>>, %arg12: memref<512xi32, #tpu.memory_space<vmem>>, %arg13: memref<512xf32, #tpu.memory_space<vmem>>, %arg14: memref<512xf32, #tpu.memory_space<vmem>>, %arg15: memref<16x512xf32, #tpu.memory_space<vmem>>, %arg16: memref<80xf32, #tpu.memory_space<vmem>>, %arg17: memref<16xf32, #tpu.memory_space<vmem>>, %arg18: memref<16xf32, #tpu.memory_space<vmem>>, %arg19: memref<512xf32, #tpu.memory_space<vmem>>, %arg20: memref<!tpu.dma_semaphore, #tpu.memory_space<semaphore_mem>>, %arg21: memref<!tpu.dma_semaphore, #tpu.memory_space<semaphore_mem>>) attributes {dimension_semantics = [#tpu.dimension_semantics<core_parallel>, #tpu.dimension_semantics<subcore_parallel>], iteration_bounds = array<i64: 2, 16>, scalar_prefetch = 0 : i64, scratch_operands = 11 : i64, tpu.core_type = #tpu.core_type<sc_vector_subcore>, window_params = [{transform_indices = #map}, {transform_indices = #map}, {transform_indices = #map1}, {transform_indices = #map}, {transform_indices = #map}, {transform_indices = #map}, {transform_indices = #map}, {transform_indices = #map}, {transform_indices = #map}]} {
    %mul3A = arith.constant 2 : i32
    %mul3A_0 = arith.muli %arg1, %mul3A : i32
    %add3A = arith.addi %mul3A_0, %arg0 : i32
    %mul3A_1 = arith.constant 512 : i32
    %mul3A_2 = arith.muli %add3A, %mul3A_1 : i32
    %multiple_of3A = tpu.assume_multiple %mul3A_2, 512 : i32
    "tpu.region"() ({
      %run_scoped3A = tpu.sem_alloc : memref<!tpu.dma_semaphore, #tpu.memory_space<semaphore_mem>>
      %dma_start3A_20 = tpu.memref_slice %arg2[%multiple_of3A] : memref<16384xi32, #tpu.memory_space<hbm>> -> memref<512xi32, #tpu.memory_space<hbm>>
      %dma_start3A_21 = tpu.memref_slice %arg2[%multiple_of3A] : memref<16384xi32, #tpu.memory_space<hbm>> -> memref<512xi32, #tpu.memory_space<hbm>>
      tpu.enqueue_dma source(%dma_start3A_21 : memref<512xi32, #tpu.memory_space<hbm>>) target(%arg11 : memref<512xi32, #tpu.memory_space<vmem>>) target_semaphore(%run_scoped3A : memref<!tpu.dma_semaphore, #tpu.memory_space<semaphore_mem>>)
      %dma_wait3A_22 = tpu.memref_slice %arg2[%multiple_of3A] : memref<16384xi32, #tpu.memory_space<hbm>> -> memref<512xi32, #tpu.memory_space<hbm>>
      %dma_wait3A_23 = tpu.memref_slice %arg2[%multiple_of3A] : memref<16384xi32, #tpu.memory_space<hbm>> -> memref<512xi32, #tpu.memory_space<hbm>>
      tpu.wait_dma2 semaphore(%run_scoped3A : memref<!tpu.dma_semaphore, #tpu.memory_space<semaphore_mem>>) src(%dma_wait3A_23 : memref<512xi32, #tpu.memory_space<hbm>>) dst(%arg11 : memref<512xi32, #tpu.memory_space<vmem>>)
      tpu.yield
    }) : () -> ()
    "tpu.region"() ({
      %run_scoped3A = tpu.sem_alloc : memref<!tpu.dma_semaphore, #tpu.memory_space<semaphore_mem>>
      %dma_start3A_20 = tpu.memref_slice %arg3[%multiple_of3A] : memref<16384xi32, #tpu.memory_space<hbm>> -> memref<512xi32, #tpu.memory_space<hbm>>
      %dma_start3A_21 = tpu.memref_slice %arg3[%multiple_of3A] : memref<16384xi32, #tpu.memory_space<hbm>> -> memref<512xi32, #tpu.memory_space<hbm>>
      tpu.enqueue_dma source(%dma_start3A_21 : memref<512xi32, #tpu.memory_space<hbm>>) target(%arg12 : memref<512xi32, #tpu.memory_space<vmem>>) target_semaphore(%run_scoped3A : memref<!tpu.dma_semaphore, #tpu.memory_space<semaphore_mem>>)
      %dma_wait3A_22 = tpu.memref_slice %arg3[%multiple_of3A] : memref<16384xi32, #tpu.memory_space<hbm>> -> memref<512xi32, #tpu.memory_space<hbm>>
      %dma_wait3A_23 = tpu.memref_slice %arg3[%multiple_of3A] : memref<16384xi32, #tpu.memory_space<hbm>> -> memref<512xi32, #tpu.memory_space<hbm>>
      tpu.wait_dma2 semaphore(%run_scoped3A : memref<!tpu.dma_semaphore, #tpu.memory_space<semaphore_mem>>) src(%dma_wait3A_23 : memref<512xi32, #tpu.memory_space<hbm>>) dst(%arg12 : memref<512xi32, #tpu.memory_space<vmem>>)
      tpu.yield
    }) : () -> ()
    %dma_start3A = arith.constant 0 : i32
    %dma_start3A_3 = tpu.memref_slice %arg5[%dma_start3A] : memref<1000000xf32, #tpu.memory_space<hbm>> -> memref<1000000xf32, #tpu.memory_space<hbm>>
    tpu.enqueue_indirect_dma source(%dma_start3A_3 : memref<1000000xf32, #tpu.memory_space<hbm>>) target(%arg13 : memref<512xf32, #tpu.memory_space<vmem>>) offsets(%arg11 : memref<512xi32, #tpu.memory_space<vmem>>) semaphore(%arg20 : memref<!tpu.dma_semaphore, #tpu.memory_space<semaphore_mem>>)
    %dma_start3A_4 = arith.constant 0 : i32
    %dma_start3A_5 = tpu.memref_slice %arg6[%dma_start3A_4] : memref<1000000xf32, #tpu.memory_space<hbm>> -> memref<1000000xf32, #tpu.memory_space<hbm>>
    tpu.enqueue_indirect_dma source(%dma_start3A_5 : memref<1000000xf32, #tpu.memory_space<hbm>>) target(%arg14 : memref<512xf32, #tpu.memory_space<vmem>>) offsets(%arg12 : memref<512xi32, #tpu.memory_space<vmem>>) semaphore(%arg21 : memref<!tpu.dma_semaphore, #tpu.memory_space<semaphore_mem>>)
    "tpu.region"() ({
      %run_scoped3A = tpu.sem_alloc : memref<!tpu.dma_semaphore, #tpu.memory_space<semaphore_mem>>
      %dma_start3A_20 = arith.constant 0 : i32
      %dma_start3A_21 = tpu.memref_slice %arg4[%dma_start3A_20, %multiple_of3A] : memref<16x16384xf32, #tpu.memory_space<hbm>> -> memref<16x512xf32, #tpu.memory_space<hbm>>
      %dma_start3A_22 = arith.constant 0 : i32
      %dma_start3A_23 = tpu.memref_slice %arg4[%dma_start3A_22, %multiple_of3A] : memref<16x16384xf32, #tpu.memory_space<hbm>> -> memref<16x512xf32, #tpu.memory_space<hbm>>
      tpu.enqueue_dma source(%dma_start3A_23 : memref<16x512xf32, #tpu.memory_space<hbm>>) target(%arg15 : memref<16x512xf32, #tpu.memory_space<vmem>>) target_semaphore(%run_scoped3A : memref<!tpu.dma_semaphore, #tpu.memory_space<semaphore_mem>>)
      %dma_wait3A_24 = arith.constant 0 : i32
      %dma_wait3A_25 = tpu.memref_slice %arg4[%dma_wait3A_24, %multiple_of3A] : memref<16x16384xf32, #tpu.memory_space<hbm>> -> memref<16x512xf32, #tpu.memory_space<hbm>>
      %dma_wait3A_26 = arith.constant 0 : i32
      %dma_wait3A_27 = tpu.memref_slice %arg4[%dma_wait3A_26, %multiple_of3A] : memref<16x16384xf32, #tpu.memory_space<hbm>> -> memref<16x512xf32, #tpu.memory_space<hbm>>
      tpu.wait_dma2 semaphore(%run_scoped3A : memref<!tpu.dma_semaphore, #tpu.memory_space<semaphore_mem>>) src(%dma_wait3A_27 : memref<16x512xf32, #tpu.memory_space<hbm>>) dst(%arg15 : memref<16x512xf32, #tpu.memory_space<vmem>>)
      tpu.yield
    }) : () -> ()
    "tpu.region"() ({
      %run_scoped3A = tpu.sem_alloc : memref<!tpu.dma_semaphore, #tpu.memory_space<semaphore_mem>>
      tpu.enqueue_dma source(%arg7 : memref<80xf32, #tpu.memory_space<hbm>>) target(%arg16 : memref<80xf32, #tpu.memory_space<vmem>>) target_semaphore(%run_scoped3A : memref<!tpu.dma_semaphore, #tpu.memory_space<semaphore_mem>>)
      tpu.wait_dma2 semaphore(%run_scoped3A : memref<!tpu.dma_semaphore, #tpu.memory_space<semaphore_mem>>) src(%arg7 : memref<80xf32, #tpu.memory_space<hbm>>) dst(%arg16 : memref<80xf32, #tpu.memory_space<vmem>>)
      tpu.yield
    }) : () -> ()
    "tpu.region"() ({
      %run_scoped3A = tpu.sem_alloc : memref<!tpu.dma_semaphore, #tpu.memory_space<semaphore_mem>>
      tpu.enqueue_dma source(%arg8 : memref<16xf32, #tpu.memory_space<hbm>>) target(%arg17 : memref<16xf32, #tpu.memory_space<vmem>>) target_semaphore(%run_scoped3A : memref<!tpu.dma_semaphore, #tpu.memory_space<semaphore_mem>>)
      tpu.wait_dma2 semaphore(%run_scoped3A : memref<!tpu.dma_semaphore, #tpu.memory_space<semaphore_mem>>) src(%arg8 : memref<16xf32, #tpu.memory_space<hbm>>) dst(%arg17 : memref<16xf32, #tpu.memory_space<vmem>>)
      tpu.yield
    }) : () -> ()
    "tpu.region"() ({
      %run_scoped3A = tpu.sem_alloc : memref<!tpu.dma_semaphore, #tpu.memory_space<semaphore_mem>>
      tpu.enqueue_dma source(%arg9 : memref<16xf32, #tpu.memory_space<hbm>>) target(%arg18 : memref<16xf32, #tpu.memory_space<vmem>>) target_semaphore(%run_scoped3A : memref<!tpu.dma_semaphore, #tpu.memory_space<semaphore_mem>>)
      tpu.wait_dma2 semaphore(%run_scoped3A : memref<!tpu.dma_semaphore, #tpu.memory_space<semaphore_mem>>) src(%arg9 : memref<16xf32, #tpu.memory_space<hbm>>) dst(%arg18 : memref<16xf32, #tpu.memory_space<vmem>>)
      tpu.yield
    }) : () -> ()
    %get3A = arith.constant 64 : index
    %get3A_6 = tpu.vector_load %arg16[%get3A] {strides = array<i32>} : memref<80xf32, #tpu.memory_space<vmem>>, vector<16xf32>,
    %get3A_7 = arith.constant 0 : index
    %get3A_8 = tpu.vector_load %arg17[%get3A_7] {strides = array<i32>} : memref<16xf32, #tpu.memory_space<vmem>>, vector<16xf32>,
    %get3A_9 = arith.constant 0 : index
    %get3A_10 = tpu.vector_load %arg18[%get3A_9] {strides = array<i32>} : memref<16xf32, #tpu.memory_space<vmem>>, vector<16xf32>,
    %add3A_11 = arith.addf %get3A_8, %get3A_10 : vector<16xf32>
    %dma_wait3A = arith.constant 0 : i32
    %dma_wait3A_12 = tpu.memref_slice %arg5[%dma_wait3A] : memref<1000000xf32, #tpu.memory_space<hbm>> -> memref<1000000xf32, #tpu.memory_space<hbm>>
    tpu.wait_indirect_dma semaphore(%arg20 : memref<!tpu.dma_semaphore, #tpu.memory_space<semaphore_mem>>) src(%dma_wait3A_12 : memref<1000000xf32, #tpu.memory_space<hbm>>) dst(%arg13 : memref<512xf32, #tpu.memory_space<vmem>>)
    %dma_wait3A_13 = arith.constant 0 : i32
    %dma_wait3A_14 = tpu.memref_slice %arg6[%dma_wait3A_13] : memref<1000000xf32, #tpu.memory_space<hbm>> -> memref<1000000xf32, #tpu.memory_space<hbm>>
    tpu.wait_indirect_dma semaphore(%arg21 : memref<!tpu.dma_semaphore, #tpu.memory_space<semaphore_mem>>) src(%dma_wait3A_14 : memref<1000000xf32, #tpu.memory_space<hbm>>) dst(%arg14 : memref<512xf32, #tpu.memory_space<vmem>>)
    %scan3A = arith.constant 0 : i32
    %scan3A_15 = arith.constant 0 : i32
    %scan3A_16 = arith.constant 32 : i32
    %scan3A_17 = arith.addi %scan3A_15, %scan3A_16 : i32
    %scan3A_18 = arith.constant 1 : i32
    scf.for %scan3A_20 = %scan3A_15 to %scan3A_17 step %scan3A_18  : i32 {
      %mul3A_21 = arith.constant 16 : i32
      %mul3A_22 = arith.muli %scan3A_20, %mul3A_21 : i32
      %get3A_23 = arith.index_cast %mul3A_22 : i32 to index
      %get3A_24 = tpu.vector_load %arg13[%get3A_23] {strides = array<i32>} : memref<512xf32, #tpu.memory_space<vmem>>, vector<16xf32>,
      %get3A_25 = arith.index_cast %mul3A_22 : i32 to index
      %get3A_26 = tpu.vector_load %arg14[%get3A_25] {strides = array<i32>} : memref<512xf32, #tpu.memory_space<vmem>>, vector<16xf32>,
      %add3A_27 = arith.addf %get3A_24, %get3A_26 : vector<16xf32>
      %add3A_28 = arith.addf %add3A_27, %add3A_11 : vector<16xf32>
      %get3A_29 = arith.constant 0 : i32
      %get3A_30 = arith.index_cast %get3A_29 : i32 to index
      %get3A_31 = arith.index_cast %mul3A_22 : i32 to index
      %get3A_32 = tpu.vector_load %arg15[%get3A_30, %get3A_31] {strides = array<i32>} : memref<16x512xf32, #tpu.memory_space<vmem>>, vector<16xf32>,
      %slice3A = vector.extract_strided_slice %get3A_6 {offsets = [0], sizes = [1], strides = [1]} : vector<16xf32> to vector<1xf32>
      %squeeze3A = vector.extract %slice3A[0] : f32 from vector<1xf32>
      %mul3A_33 = vector.broadcast %squeeze3A : f32 to vector<16xf32>
      %mul3A_34 = arith.mulf %get3A_32, %mul3A_33 : vector<16xf32>
      %add3A_35 = arith.addf %add3A_28, %mul3A_34 : vector<16xf32>
      %get3A_36 = arith.constant 1 : i32
      %get3A_37 = arith.index_cast %get3A_36 : i32 to index
      %get3A_38 = arith.index_cast %mul3A_22 : i32 to index
      %get3A_39 = tpu.vector_load %arg15[%get3A_37, %get3A_38] {strides = array<i32>} : memref<16x512xf32, #tpu.memory_space<vmem>>, vector<16xf32>,
      %slice3A_40 = vector.extract_strided_slice %get3A_6 {offsets = [1], sizes = [1], strides = [1]} : vector<16xf32> to vector<1xf32>
      %squeeze3A_41 = vector.extract %slice3A_40[0] : f32 from vector<1xf32>
      %mul3A_42 = vector.broadcast %squeeze3A_41 : f32 to vector<16xf32>
      %mul3A_43 = arith.mulf %get3A_39, %mul3A_42 : vector<16xf32>
      %add3A_44 = arith.addf %add3A_35, %mul3A_43 : vector<16xf32>
      %get3A_45 = arith.constant 2 : i32
      %get3A_46 = arith.index_cast %get3A_45 : i32 to index
      %get3A_47 = arith.index_cast %mul3A_22 : i32 to index
      %get3A_48 = tpu.vector_load %arg15[%get3A_46, %get3A_47] {strides = array<i32>} : memref<16x512xf32, #tpu.memory_space<vmem>>, vector<16xf32>,
      %slice3A_49 = vector.extract_strided_slice %get3A_6 {offsets = [2], sizes = [1], strides = [1]} : vector<16xf32> to vector<1xf32>
      %squeeze3A_50 = vector.extract %slice3A_49[0] : f32 from vector<1xf32>
      %mul3A_51 = vector.broadcast %squeeze3A_50 : f32 to vector<16xf32>
      %mul3A_52 = arith.mulf %get3A_48, %mul3A_51 : vector<16xf32>
      %add3A_53 = arith.addf %add3A_44, %mul3A_52 : vector<16xf32>
      %get3A_54 = arith.constant 3 : i32
      %get3A_55 = arith.index_cast %get3A_54 : i32 to index
      %get3A_56 = arith.index_cast %mul3A_22 : i32 to index
      %get3A_57 = tpu.vector_load %arg15[%get3A_55, %get3A_56] {strides = array<i32>} : memref<16x512xf32, #tpu.memory_space<vmem>>, vector<16xf32>,
      %slice3A_58 = vector.extract_strided_slice %get3A_6 {offsets = [3], sizes = [1], strides = [1]} : vector<16xf32> to vector<1xf32>
      %squeeze3A_59 = vector.extract %slice3A_58[0] : f32 from vector<1xf32>
      %mul3A_60 = vector.broadcast %squeeze3A_59 : f32 to vector<16xf32>
      %mul3A_61 = arith.mulf %get3A_57, %mul3A_60 : vector<16xf32>
      %add3A_62 = arith.addf %add3A_53, %mul3A_61 : vector<16xf32>
      %get3A_63 = arith.constant 4 : i32
      %get3A_64 = arith.index_cast %get3A_63 : i32 to index
      %get3A_65 = arith.index_cast %mul3A_22 : i32 to index
      %get3A_66 = tpu.vector_load %arg15[%get3A_64, %get3A_65] {strides = array<i32>} : memref<16x512xf32, #tpu.memory_space<vmem>>, vector<16xf32>,
      %slice3A_67 = vector.extract_strided_slice %get3A_6 {offsets = [4], sizes = [1], strides = [1]} : vector<16xf32> to vector<1xf32>
      %squeeze3A_68 = vector.extract %slice3A_67[0] : f32 from vector<1xf32>
      %mul3A_69 = vector.broadcast %squeeze3A_68 : f32 to vector<16xf32>
      %mul3A_70 = arith.mulf %get3A_66, %mul3A_69 : vector<16xf32>
      %add3A_71 = arith.addf %add3A_62, %mul3A_70 : vector<16xf32>
      %get3A_72 = arith.constant 5 : i32
      %get3A_73 = arith.index_cast %get3A_72 : i32 to index
      %get3A_74 = arith.index_cast %mul3A_22 : i32 to index
      %get3A_75 = tpu.vector_load %arg15[%get3A_73, %get3A_74] {strides = array<i32>} : memref<16x512xf32, #tpu.memory_space<vmem>>, vector<16xf32>,
      %slice3A_76 = vector.extract_strided_slice %get3A_6 {offsets = [5], sizes = [1], strides = [1]} : vector<16xf32> to vector<1xf32>
      %squeeze3A_77 = vector.extract %slice3A_76[0] : f32 from vector<1xf32>
      %mul3A_78 = vector.broadcast %squeeze3A_77 : f32 to vector<16xf32>
      %mul3A_79 = arith.mulf %get3A_75, %mul3A_78 : vector<16xf32>
      %add3A_80 = arith.addf %add3A_71, %mul3A_79 : vector<16xf32>
      %get3A_81 = arith.constant 6 : i32
      %get3A_82 = arith.index_cast %get3A_81 : i32 to index
      %get3A_83 = arith.index_cast %mul3A_22 : i32 to index
      %get3A_84 = tpu.vector_load %arg15[%get3A_82, %get3A_83] {strides = array<i32>} : memref<16x512xf32, #tpu.memory_space<vmem>>, vector<16xf32>,
      %slice3A_85 = vector.extract_strided_slice %get3A_6 {offsets = [6], sizes = [1], strides = [1]} : vector<16xf32> to vector<1xf32>
      %squeeze3A_86 = vector.extract %slice3A_85[0] : f32 from vector<1xf32>
      %mul3A_87 = vector.broadcast %squeeze3A_86 : f32 to vector<16xf32>
      %mul3A_88 = arith.mulf %get3A_84, %mul3A_87 : vector<16xf32>
      %add3A_89 = arith.addf %add3A_80, %mul3A_88 : vector<16xf32>
      %get3A_90 = arith.constant 7 : i32
      %get3A_91 = arith.index_cast %get3A_90 : i32 to index
      %get3A_92 = arith.index_cast %mul3A_22 : i32 to index
      %get3A_93 = tpu.vector_load %arg15[%get3A_91, %get3A_92] {strides = array<i32>} : memref<16x512xf32, #tpu.memory_space<vmem>>, vector<16xf32>,
      %slice3A_94 = vector.extract_strided_slice %get3A_6 {offsets = [7], sizes = [1], strides = [1]} : vector<16xf32> to vector<1xf32>
      %squeeze3A_95 = vector.extract %slice3A_94[0] : f32 from vector<1xf32>
      %mul3A_96 = vector.broadcast %squeeze3A_95 : f32 to vector<16xf32>
      %mul3A_97 = arith.mulf %get3A_93, %mul3A_96 : vector<16xf32>
      %add3A_98 = arith.addf %add3A_89, %mul3A_97 : vector<16xf32>
      %get3A_99 = arith.constant 8 : i32
      %get3A_100 = arith.index_cast %get3A_99 : i32 to index
      %get3A_101 = arith.index_cast %mul3A_22 : i32 to index
      %get3A_102 = tpu.vector_load %arg15[%get3A_100, %get3A_101] {strides = array<i32>} : memref<16x512xf32, #tpu.memory_space<vmem>>, vector<16xf32>,
      %slice3A_103 = vector.extract_strided_slice %get3A_6 {offsets = [8], sizes = [1], strides = [1]} : vector<16xf32> to vector<1xf32>
      %squeeze3A_104 = vector.extract %slice3A_103[0] : f32 from vector<1xf32>
      %mul3A_105 = vector.broadcast %squeeze3A_104 : f32 to vector<16xf32>
      %mul3A_106 = arith.mulf %get3A_102, %mul3A_105 : vector<16xf32>
      %add3A_107 = arith.addf %add3A_98, %mul3A_106 : vector<16xf32>
      %get3A_108 = arith.constant 9 : i32
      %get3A_109 = arith.index_cast %get3A_108 : i32 to index
      %get3A_110 = arith.index_cast %mul3A_22 : i32 to index
      %get3A_111 = tpu.vector_load %arg15[%get3A_109, %get3A_110] {strides = array<i32>} : memref<16x512xf32, #tpu.memory_space<vmem>>, vector<16xf32>,
      %slice3A_112 = vector.extract_strided_slice %get3A_6 {offsets = [9], sizes = [1], strides = [1]} : vector<16xf32> to vector<1xf32>
      %squeeze3A_113 = vector.extract %slice3A_112[0] : f32 from vector<1xf32>
      %mul3A_114 = vector.broadcast %squeeze3A_113 : f32 to vector<16xf32>
      %mul3A_115 = arith.mulf %get3A_111, %mul3A_114 : vector<16xf32>
      %add3A_116 = arith.addf %add3A_107, %mul3A_115 : vector<16xf32>
      %get3A_117 = arith.constant 10 : i32
      %get3A_118 = arith.index_cast %get3A_117 : i32 to index
      %get3A_119 = arith.index_cast %mul3A_22 : i32 to index
      %get3A_120 = tpu.vector_load %arg15[%get3A_118, %get3A_119] {strides = array<i32>} : memref<16x512xf32, #tpu.memory_space<vmem>>, vector<16xf32>,
      %slice3A_121 = vector.extract_strided_slice %get3A_6 {offsets = [10], sizes = [1], strides = [1]} : vector<16xf32> to vector<1xf32>
      %squeeze3A_122 = vector.extract %slice3A_121[0] : f32 from vector<1xf32>
      %mul3A_123 = vector.broadcast %squeeze3A_122 : f32 to vector<16xf32>
      %mul3A_124 = arith.mulf %get3A_120, %mul3A_123 : vector<16xf32>
      %add3A_125 = arith.addf %add3A_116, %mul3A_124 : vector<16xf32>
      %get3A_126 = arith.constant 11 : i32
      %get3A_127 = arith.index_cast %get3A_126 : i32 to index
      %get3A_128 = arith.index_cast %mul3A_22 : i32 to index
      %get3A_129 = tpu.vector_load %arg15[%get3A_127, %get3A_128] {strides = array<i32>} : memref<16x512xf32, #tpu.memory_space<vmem>>, vector<16xf32>,
      %slice3A_130 = vector.extract_strided_slice %get3A_6 {offsets = [11], sizes = [1], strides = [1]} : vector<16xf32> to vector<1xf32>
      %squeeze3A_131 = vector.extract %slice3A_130[0] : f32 from vector<1xf32>
      %mul3A_132 = vector.broadcast %squeeze3A_131 : f32 to vector<16xf32>
      %mul3A_133 = arith.mulf %get3A_129, %mul3A_132 : vector<16xf32>
      %add3A_134 = arith.addf %add3A_125, %mul3A_133 : vector<16xf32>
      %get3A_135 = arith.constant 12 : i32
      %get3A_136 = arith.index_cast %get3A_135 : i32 to index
      %get3A_137 = arith.index_cast %mul3A_22 : i32 to index
      %get3A_138 = tpu.vector_load %arg15[%get3A_136, %get3A_137] {strides = array<i32>} : memref<16x512xf32, #tpu.memory_space<vmem>>, vector<16xf32>,
      %slice3A_139 = vector.extract_strided_slice %get3A_6 {offsets = [12], sizes = [1], strides = [1]} : vector<16xf32> to vector<1xf32>
      %squeeze3A_140 = vector.extract %slice3A_139[0] : f32 from vector<1xf32>
      %mul3A_141 = vector.broadcast %squeeze3A_140 : f32 to vector<16xf32>
      %mul3A_142 = arith.mulf %get3A_138, %mul3A_141 : vector<16xf32>
      %add3A_143 = arith.addf %add3A_134, %mul3A_142 : vector<16xf32>
      %get3A_144 = arith.constant 13 : i32
      %get3A_145 = arith.index_cast %get3A_144 : i32 to index
      %get3A_146 = arith.index_cast %mul3A_22 : i32 to index
      %get3A_147 = tpu.vector_load %arg15[%get3A_145, %get3A_146] {strides = array<i32>} : memref<16x512xf32, #tpu.memory_space<vmem>>, vector<16xf32>,
      %slice3A_148 = vector.extract_strided_slice %get3A_6 {offsets = [13], sizes = [1], strides = [1]} : vector<16xf32> to vector<1xf32>
      %squeeze3A_149 = vector.extract %slice3A_148[0] : f32 from vector<1xf32>
      %mul3A_150 = vector.broadcast %squeeze3A_149 : f32 to vector<16xf32>
      %mul3A_151 = arith.mulf %get3A_147, %mul3A_150 : vector<16xf32>
      %add3A_152 = arith.addf %add3A_143, %mul3A_151 : vector<16xf32>
      %get3A_153 = arith.constant 14 : i32
      %get3A_154 = arith.index_cast %get3A_153 : i32 to index
      %get3A_155 = arith.index_cast %mul3A_22 : i32 to index
      %get3A_156 = tpu.vector_load %arg15[%get3A_154, %get3A_155] {strides = array<i32>} : memref<16x512xf32, #tpu.memory_space<vmem>>, vector<16xf32>,
      %slice3A_157 = vector.extract_strided_slice %get3A_6 {offsets = [14], sizes = [1], strides = [1]} : vector<16xf32> to vector<1xf32>
      %squeeze3A_158 = vector.extract %slice3A_157[0] : f32 from vector<1xf32>
      %mul3A_159 = vector.broadcast %squeeze3A_158 : f32 to vector<16xf32>
      %mul3A_160 = arith.mulf %get3A_156, %mul3A_159 : vector<16xf32>
      %add3A_161 = arith.addf %add3A_152, %mul3A_160 : vector<16xf32>
      %get3A_162 = arith.constant 15 : i32
      %get3A_163 = arith.index_cast %get3A_162 : i32 to index
      %get3A_164 = arith.index_cast %mul3A_22 : i32 to index
      %get3A_165 = tpu.vector_load %arg15[%get3A_163, %get3A_164] {strides = array<i32>} : memref<16x512xf32, #tpu.memory_space<vmem>>, vector<16xf32>,
      %slice3A_166 = vector.extract_strided_slice %get3A_6 {offsets = [15], sizes = [1], strides = [1]} : vector<16xf32> to vector<1xf32>
      %squeeze3A_167 = vector.extract %slice3A_166[0] : f32 from vector<1xf32>
      %mul3A_168 = vector.broadcast %squeeze3A_167 : f32 to vector<16xf32>
      %mul3A_169 = arith.mulf %get3A_165, %mul3A_168 : vector<16xf32>
      %add3A_170 = arith.addf %add3A_161, %mul3A_169 : vector<16xf32>
      %swap3A = arith.index_cast %mul3A_22 : i32 to index
      %swap3A_171 = tpu.vector_load %arg19[%swap3A] {strides = array<i32>} : memref<512xf32, #tpu.memory_space<vmem>>, vector<16xf32>,
      tpu.vector_store %arg19[%swap3A], %add3A_170 {strides = array<i32>} : memref<512xf32, #tpu.memory_space<vmem>>, vector<16xf32>,
    }
    %scan3A_19 = arith.constant 32 : i32
    "tpu.region"() ({
      %run_scoped3A = tpu.sem_alloc : memref<!tpu.dma_semaphore, #tpu.memory_space<semaphore_mem>>
      %dma_start3A_20 = tpu.memref_slice %arg10[%multiple_of3A] : memref<16384xf32, #tpu.memory_space<hbm>> -> memref<512xf32, #tpu.memory_space<hbm>>
      %dma_start3A_21 = tpu.memref_slice %arg10[%multiple_of3A] : memref<16384xf32, #tpu.memory_space<hbm>> -> memref<512xf32, #tpu.memory_space<hbm>>
      tpu.enqueue_dma source(%arg19 : memref<512xf32, #tpu.memory_space<vmem>>) target(%dma_start3A_21 : memref<512xf32, #tpu.memory_space<hbm>>) target_semaphore(%run_scoped3A : memref<!tpu.dma_semaphore, #tpu.memory_space<semaphore_mem>>)
      %dma_wait3A_22 = tpu.memref_slice %arg10[%multiple_of3A] : memref<16384xf32, #tpu.memory_space<hbm>> -> memref<512xf32, #tpu.memory_space<hbm>>
      %dma_wait3A_23 = tpu.memref_slice %arg10[%multiple_of3A] : memref<16384xf32, #tpu.memory_space<hbm>> -> memref<512xf32, #tpu.memory_space<hbm>>
      tpu.wait_dma2 semaphore(%run_scoped3A : memref<!tpu.dma_semaphore, #tpu.memory_space<semaphore_mem>>) src(%arg19 : memref<512xf32, #tpu.memory_space<vmem>>) dst(%dma_wait3A_23 : memref<512xf32, #tpu.memory_space<hbm>>)
      tpu.yield
    }) : () -> ()
    return
  }
}

module attributes {stable_mosaic.version = 14 : i64} {
  func.func @body(%arg0: i32, %arg1: memref<32x128xf32, #tpu.memory_space<vmem>>, %arg2: memref<32x128xf32, #tpu.memory_space<vmem>>, %arg3: memref<32x40960xf32, #tpu.memory_space<vmem>>, %arg4: memref<32x40960xf32, #tpu.memory_space<vmem>>, %arg5: memref<40960xf32, #tpu.memory_space<vmem>>, %arg6: memref<40960xf32, #tpu.memory_space<vmem>>) attributes {dimension_semantics = [#tpu.dimension_semantics<arbitrary>], iteration_bounds = array<i64: 25>, scalar_prefetch = 0 : i64, scratch_operands = 0 : i64, tpu.core_type = #tpu.core_type<tc>, window_params = [{pipeline_mode = #tpu.pipeline_mode<synchronous>, transform_indices = @transform_0, window_bounds = array<i64: 32, 128>}, {pipeline_mode = #tpu.pipeline_mode<synchronous>, transform_indices = @transform_1, window_bounds = array<i64: 32, 128>}, {transform_indices = @transform_2, window_bounds = array<i64: 32, 40960>}, {transform_indices = @transform_3, window_bounds = array<i64: 32, 40960>}, {transform_indices = @transform_4, window_bounds = array<i64: 40960>}, {transform_indices = @transform_5, window_bounds = array<i64: 40960>}]} {
    %get3A = arith.constant 0 : index
    %get3A_0 = arith.constant 0 : index
    %get3A_1 = vector.load %arg3[%get3A, %get3A_0] : memref<32x40960xf32, #tpu.memory_space<vmem>>, vector<32x40960xf32>
    %get3A_2 = arith.constant 0 : index
    %get3A_3 = arith.constant 0 : index
    %get3A_4 = vector.load %arg1[%get3A_2, %get3A_3] : memref<32x128xf32, #tpu.memory_space<vmem>>, vector<32x1xf32>
    %mul3A = vector.broadcast %get3A_4 : vector<32x1xf32> to vector<32x40960xf32>
    %mul3A_5 = arith.mulf %get3A_1, %mul3A : vector<32x40960xf32>
    %reduce_sum3A = arith.constant dense<0.000000e+00> : vector<40960xf32>
    %reduce_sum3A_6 = vector.multi_reduction <add>, %mul3A_5, %reduce_sum3A [0] : vector<32x40960xf32> to vector<40960xf32>
    %swap3A = arith.constant 0 : index
    %swap3A_7 = vector.load %arg5[%swap3A] : memref<40960xf32, #tpu.memory_space<vmem>>, vector<40960xf32>
    tpu.vector_store %arg5[%swap3A], %reduce_sum3A_6 {strides = array<i32>} : memref<40960xf32, #tpu.memory_space<vmem>>, vector<40960xf32>,
    %get3A_8 = arith.constant 0 : index
    %get3A_9 = arith.constant 0 : index
    %get3A_10 = vector.load %arg4[%get3A_8, %get3A_9] : memref<32x40960xf32, #tpu.memory_space<vmem>>, vector<32x40960xf32>
    %get3A_11 = arith.constant 0 : index
    %get3A_12 = arith.constant 0 : index
    %get3A_13 = vector.load %arg2[%get3A_11, %get3A_12] : memref<32x128xf32, #tpu.memory_space<vmem>>, vector<32x1xf32>
    %mul3A_14 = vector.broadcast %get3A_13 : vector<32x1xf32> to vector<32x40960xf32>
    %mul3A_15 = arith.mulf %get3A_10, %mul3A_14 : vector<32x40960xf32>
    %reduce_sum3A_16 = arith.constant dense<0.000000e+00> : vector<40960xf32>
    %reduce_sum3A_17 = vector.multi_reduction <add>, %mul3A_15, %reduce_sum3A_16 [0] : vector<32x40960xf32> to vector<40960xf32>
    %swap3A_18 = arith.constant 0 : index
    %swap3A_19 = vector.load %arg6[%swap3A_18] : memref<40960xf32, #tpu.memory_space<vmem>>, vector<40960xf32>
    tpu.vector_store %arg6[%swap3A_18], %reduce_sum3A_17 {strides = array<i32>} : memref<40960xf32, #tpu.memory_space<vmem>>, vector<40960xf32>,
    return
  }
  func.func @transform_0(%arg0: i32) -> (i32, i32) {
    %c0_i32 = arith.constant 0 : i32
    %c0_i32_0 = arith.constant 0 : i32
    %c0_i32_1 = arith.constant 0 : i32
    return %c0_i32, %c0_i32_0 : i32, i32
  }
  func.func @transform_1(%arg0: i32) -> (i32, i32) {
    %c0_i32 = arith.constant 0 : i32
    %c0_i32_0 = arith.constant 0 : i32
    %c0_i32_1 = arith.constant 0 : i32
    return %c0_i32, %c0_i32_0 : i32, i32
  }
  func.func @transform_2(%arg0: i32) -> (i32, i32) {
    %c0_i32 = arith.constant 0 : i32
    %c0_i32_0 = arith.constant 0 : i32
    return %c0_i32, %arg0 : i32, i32
  }
  func.func @transform_3(%arg0: i32) -> (i32, i32) {
    %c0_i32 = arith.constant 0 : i32
    %c0_i32_0 = arith.constant 0 : i32
    return %c0_i32, %arg0 : i32, i32
  }
  func.func @transform_4(%arg0: i32) -> i32 {
    %c0_i32 = arith.constant 0 : i32
    return %arg0 : i32
  }
  func.func @transform_5(%arg0: i32) -> i32 {
    %c0_i32 = arith.constant 0 : i32
    return %arg0 : i32
  }
}

</mosaic_0001>

<sc_bundles>
// kernel: kernel.4.cloned.1.call-start
scs
__scs_entry_jumppad:
0x0: {  	(pc) =	sbr.rel $0x88, $3  }
0x1: {  	(tag) =	ssettag $0x0;
	lr =	simm.s32 $0x1  }
0x2: {  	[smem:$0x3F99] =	sst lr;
	_ =	strace $0xD0000000  }
0x3: {  	_ = 	snop  }
0x4: {  	_ = 	snop  }
0x5: {  	_ = 	snop  }
0x6: {  	_ = 	snop  }
0x7: {  	_ = 	snop  }
__scs_overlays_trampoline_lowered:
0x8: {  	[smem:$0x3FA8] =	sst s0  }
0x9: {  	[smem:$0x3FA9] =	sst s1  }
0xa: {  	[smem:$0x3FAA] =	sst s2  }
0xb: {  	[smem:$0x3FAB] =	sst s3  }
0xc: {  	[smem:$0x3FAC] =	sst s4  }
0xd: {  	[smem:$0x3FAD] =	sst s5  }
0xe: {  	[smem:$0x3FAE] =	sst s6  }
0xf: {  	[smem:$0x3FAF] =	sst s7  }
0x10: {  	[smem:$0x3FB0] =	sst s8  }
0x11: {  	[smem:$0x3FB1] =	sst s9;
	s0 =	simm.s32 @!p0 $0x0  }
0x12: {  	s1 =	sld [smem:$0x3F97];
	s0 =	simm.s32 @p0 $0x1  }
0x13: {  	[smem:$0x3FB2] =	sst s0;
	s0 =	simm.s32 @!p1 $0x0  }
0x14: {  	s2 =	sld [smem:$0x3F96];
	s0 =	simm.s32 @p1 $0x1  }
0x15: {  	[smem:$0x3FB3] =	sst s0;
	s0 =	simm.s32 @!p2 $0x0  }
0x16: {  	s3 =	sld [smem:$0x3FDB];
	s0 =	simm.s32 @p2 $0x1  }
0x17: {  	s4 =	simm.s32 $0x1BF5;
	[smem:$0x3FB5] =	sst s0  }
0x18: {  	s0 =	sld [smem:$0x3F98];
	_ =	swait.ge [sflag:s4], $0x0  }
0x19: {  	s7 =	sld [smem:$0x3F99]  }
0x1a: {  	s8 =	sadd.s32 $0xFFFFE003, lr  }
0x1b: {  	s9 =	sadd.s32 $0xFFFFFEF7, lr;
	s5 =	simm.s32 $0xFFFFFFFF;
	p2 =	slt.u32 s8, $0xFFFFF086  }
0x1c: {  	p1 =	slt.u32 s9, $0xF7A;
	s5 =	simm.s32 @!p2 $0x0  }
0x1d: {  	s5 =	simm.s32 @p1 $0x1;
	p0 =	seq.s32 s7, s2  }
0x1e: {  	s7 =	smul.u32 @!p0 $0xF7A, s2;
	p2 =	seq.s32 @!p0 s5, $0x0  }
0x1f: {  	s9 =	smul.u32 $0xF7A, s1;
	s8 =	simm.s32 @!p0 $0x1BF5;
	p2 =	por !p2, p0  }
0x20: {  	[sflag:s8] =	ssyncset.s32 @!p0 $0xFFFFF086;
	s6 =	sadd.s32 @!p0 s3, s7;
	s7 =	simm.s32 @!p0 $0x108  }
0x21: {  	s3 =	sadd.s32 s3, s9;
	s6 =	sadd.s32 @!p0 $0x88, s6;
	s7 =	simm.s32 @p2 $0x1082  }
0x22: {  	[simem:s7], [sflag:s8] =	dma.local @!p0 [hbm:s6], $0xF7A  }
0x23: {  	s9 =	sor.u32 $0xD0000000, s2;
	s6 =	simm.s32 $0x108;
	_ =	swait.ge @!p0 [sflag:s8], $0x0  }
0x24: {  	s3 =	sadd.s32 $0x88, s3;
	s6 =	simm.s32 @!p1 $0x1082;
	[sflag:s4] =	ssyncset.s32 $0xFFFFF086  }
0x25: {  	[simem:s6], [sflag:s4] =	dma.local [hbm:s3], $0xF7A  }
0x26: {  	[smem:$0x3F99] =	sst s1;
	(tag) =	ssettag s2;
	_ =	strace s9  }
0x27: {  	s1 =	sld [smem:$0x3FA9]  }
0x28: {  	s2 =	sld [smem:$0x3FAA]  }
0x29: {  	s4 =	sld [smem:$0x3FAC]  }
0x2a: {  	p0 =	seq.s32 s5, $0x0;
	s5 =	sld [smem:$0x3FAD]  }
0x2b: {  	s6 =	sld [smem:$0x3FAE]  }
0x2c: {  	s7 =	sld [smem:$0x3FAF]  }
0x2d: {  	s3 =	simm.s32 $0x108;
	s8 =	sld [smem:$0x3FB0]  }
0x2e: {  	s3 =	simm.s32 @!p0 $0x1082;
	s9 =	sld [smem:$0x3FB1]  }
0x2f: {  	lr =	sadd.s32 s0, s3;
	s0 =	sld [smem:$0x3FA8]  }
0x30: {  	s3 =	sld [smem:$0x3FAB]  }
0x31: {  	[smem:$0x3FB4] =	sst s10  }
0x32: {  	s10 =	sld [smem:$0x3FB2];
	_ =	sdelay $0x3  }
0x33: {  	p0 =	seq.s32 s10, $0x1;
	s10 =	sld [smem:$0x3FB4];
	_ =	sdelay $0x3  }
0x34: {  	[smem:$0x3FB4] =	sst s10  }
0x35: {  	s10 =	sld [smem:$0x3FB3];
	_ =	sdelay $0x3  }
0x36: {  	p1 =	seq.s32 s10, $0x1;
	s10 =	sld [smem:$0x3FB4];
	_ =	sdelay $0x3  }
0x37: {  	[smem:$0x3FB4] =	sst s10  }
0x38: {  	s10 =	sld [smem:$0x3FB5]  }
0x39: {  	_ = 	snop;
	(pc) =	sbr.ind lr, $3  }
0x3a: {  	_ = 	snop  }
0x3b: {  	_ = 	snop  }
0x3c: {  	p2 =	seq.s32 s10, $0x1;
	s10 =	sld [smem:$0x3FB4]  }
0x3d: {  	_ =	shalt  }
0x3e: {  	_ =	shalt  }
0x3f: {  	_ =	shalt  }
0x40: {  	_ =	shalt  }
0x41: {  	_ =	shalt  }
0x42: {  	_ =	shalt  }
0x43: {  	_ =	shalt  }
0x44: {  	_ =	shalt  }
0x45: {  	_ =	shalt  }
0x46: {  	_ =	shalt  }
0x47: {  	_ =	shalt  }
0x48: {  	_ =	shalt  }
0x49: {  	_ =	shalt  }
0x4a: {  	_ =	shalt  }
0x4b: {  	_ =	shalt  }
0x4c: {  	_ =	shalt  }
0x4d: {  	_ =	shalt  }
0x4e: {  	_ =	shalt  }
0x4f: {  	_ =	shalt  }
0x50: {  	_ =	shalt  }
0x51: {  	_ =	shalt  }
0x52: {  	_ =	shalt  }
0x53: {  	_ =	shalt  }
0x54: {  	_ =	shalt  }
0x55: {  	_ =	shalt  }
0x56: {  	_ =	shalt  }
0x57: {  	_ =	shalt  }
0x58: {  	_ =	shalt  }
0x59: {  	_ =	shalt  }
0x5a: {  	_ =	shalt  }
0x5b: {  	_ =	shalt  }
0x5c: {  	_ =	shalt  }
0x5d: {  	_ =	shalt  }
0x5e: {  	_ =	shalt  }
0x5f: {  	_ =	shalt  }
0x60: {  	_ =	shalt  }
0x61: {  	_ =	shalt  }
0x62: {  	_ =	shalt  }
0x63: {  	_ =	shalt  }
0x64: {  	_ =	shalt  }
0x65: {  	_ =	shalt  }
0x66: {  	_ =	shalt  }
0x67: {  	_ =	shalt  }
0x68: {  	_ =	shalt  }
0x69: {  	_ =	shalt  }
0x6a: {  	_ =	shalt  }
0x6b: {  	_ =	shalt  }
0x6c: {  	_ =	shalt  }
0x6d: {  	_ =	shalt  }
0x6e: {  	_ =	shalt  }
0x6f: {  	_ =	shalt  }
0x70: {  	_ =	shalt  }
0x71: {  	_ =	shalt  }
0x72: {  	_ =	shalt  }
0x73: {  	_ =	shalt  }
0x74: {  	_ =	shalt  }
0x75: {  	_ =	shalt  }
0x76: {  	_ =	shalt  }
0x77: {  	_ =	shalt  }
0x78: {  	_ =	shalt  }
0x79: {  	_ =	shalt  }
0x7a: {  	_ =	shalt  }
0x7b: {  	_ =	shalt  }
0x7c: {  	_ =	shalt  }
0x7d: {  	_ =	shalt  }
0x7e: {  	_ =	shalt  }
0x7f: {  	_ =	shalt  }
0x80: {  	_ =	shalt  }
0x81: {  	_ =	shalt  }
0x82: {  	_ =	shalt  }
0x83: {  	_ =	shalt  }
0x84: {  	_ =	shalt  }
0x85: {  	_ =	shalt  }
0x86: {  	_ =	shalt  }
0x87: {  	_ =	shalt  }
.Lfunc_end0:
.L_simem_size_0:
called_computation_lowered:
.L_overlay_start_0:
0x88: {  	s2 =	sld [smem:$0x3FD9]  }
0x89: {  	s3 =	sld [smem:$0x3FFE];
	_ =	sdelay $0x1  }
0x8a: {  	s1 =	srdreg.scid  }
0x8b: {  	s0 =	sand.u32 $0x1, s1  }
0x8c: {  	s17 =	sshll.u32 s0, $0xA;
	s2 =	sadd.s32 s3, s2  }
0x8d: {  	s2 =	sadd.s32 s2, s17  }
0x8e: {  	[smem:$0x3FC0] =	sst s2  }
0x8f: {  	_ = 	snop  }
0x90: {  	s2 =	sld [smem:$0x3FC9]  }
0x91: {  	s18 =	sld [smem:$0x3FC8]  }
0x92: {  	s4 =	sld [smem:$0x3FC7]  }
0x93: {  	s5 =	sld [smem:$0x3FC4]  }
0x94: {  	s6 =	sld [smem:$0x3FD0];
	(tm) =	ssettm $0x1  }
0x95: {  	s7 =	sld [smem:$0x3FFB];
	_ =	sdelay $0x3  }
0x96: {  	_ =	strace s7  }
0x97: {  	s7 =	sld [smem:$0x3FFC];
	_ =	sdelay $0x3  }
0x98: {  	_ =	strace s7  }
0x99: {  	s7 =	sld [smem:$0x3FFD];
	_ =	sdelay $0x3  }
0x9a: {  	_ =	strace s7  }
0x9b: {  	_ =	strace $0x8FFFFFFF  }
0x9c: {  	s19 =	sld [smem:$0x3FDB];
	_ =	sdelay $0x1  }
0x9d: {  	s8 =	simm.s32 $_scs_section_size  }
0x9e: {  	s9 =	simm.s32 $_size__tile_overlayer_lowered;
	s10 =	simm.s32 $_tile_overlayer_lowered  }
0x9f: {  	s22 =	simm.s32 $0x1BFF;
	s21 =	sshll.u32 s10, $0x1;
	s7 =	sadd.s32 s8, s19  }
0xa0: {  	s11 =	simm.s32 $0x0;
	s20 =	sshll.u32 s9, $0x1;
	s9 =	sadd.s32 s21, s7  }
0xa1: {  	[timem:s11], [sflag:s22] =	dma.local [hbm:s9], s20  }
0xa2: {  	_ =	swait.ge [sflag:s22], s20  }
0xa3: {  	s8 =	ssub.s32 $0x0, s20;
	[sflag:s22] =	ssyncset.done $0x0  }
0xa4: {  	[sflag:s22] =	ssyncadd.s32 s8;
	_ =	sdelay $0x1  }
0xa5: {  	s23 =	simm.s32 $0x1B8B  }
0xa6: {  	_ =	swait.ge [sflag:s23], $0x1  }
0xa7: {  	[sflag:s23] =	ssyncset.done $0x0  }
0xa8: {  	s25 =	simm.s32 $0x1B8E;
	s24 =	sld [smem:$0x3FFE];
	[sflag:s23] =	ssyncadd.s32 $0xFFFFFFFF  }
0xa9: {  	s26 =	simm.s32 $execute0_lowered;
	[smem:$0x3FD2] =	sst s25  }
0xaa: {  	s9 =	sshll.u32 s26, $0x1;
	_ =	strace $0x80000046;
	[dreg:$0x1] =	wrdreg $0xFFFFFFFF  }
0xab: {  	s28 =	simm.s32 $_size_execute0_lowered;
	s7 =	sadd.s32 s7, s9;
	[dreg:$0x0] =	wrdreg $0x0  }
0xac: {  	s9 =	sshll.u32 s28, $0x1;
	[dreg:$0x2] =	wrdreg s7  }
0xad: {  	[dreg:$0x3] =	wrdreg s9  }
0xae: {  	[dreg:$0x4] =	wrdreg $0xC0  }
0xaf: {  	_ =	task [dreg:s11], $0x5FFFF  }
0xb0: {  	[dreg:$0x1] =	wrdreg $0xFFFFFFFF  }
0xb1: {  	[dreg:$0x0] =	wrdreg $0x60  }
0xb2: {  	[dreg:$0x2] =	wrdreg s2  }
0xb3: {  	[dreg:$0x3] =	wrdreg s18  }
0xb4: {  	[dreg:$0x4] =	wrdreg s4  }
0xb5: {  	[dreg:$0x5] =	wrdreg s24  }
0xb6: {  	[dreg:$0x6] =	wrdreg s5  }
0xb7: {  	[dreg:$0x7] =	wrdreg s6  }
0xb8: {  	[dreg:$0x8] =	wrdreg $0x9  }
0xb9: {  	_ =	task.clear_ibuf [dreg:s11], $0x9FFFF;
	_ =	strace $0x90000046  }
0xba: {  	s29 =	simm.s32 $0x9;
	_ =	strace $0x80000048  }
0xbb: {  	_ =	swait.ge [sflag:s29], $0x1  }
0xbc: {  	[sflag:s29] =	ssyncadd.s32 $0xFFFFFFFF  }
0xbd: {  	_ =	strace $0x90000048  }
0xbe: {  	_ =	sfence  }
0xbf: {  	s30 =	sld [smem:$0x0];
	_ =	sdelay $0x2  }
0xc0: {  	s31 =	sshll.u32 s1, $0xD;
	s1 =	sshrl.u32 s1, $0x2  }
0xc1: {  	s3 =	sand.u32 $0x4000, s31;
	s1 =	sadd.s32 s1, s30  }
0xc2: {  	s0 =	sor.u32 s3, s0;
	s1 =	sshll.u32 s1, $0x11  }
0xc3: {  	s0 =	sor.u32 s1, s0  }
0xc4: {  	s0 =	sadd.s32 $0x8F2B, s0  }
0xc5: {  	[sflag:s0] =	ssyncadd.remote.s32 $0x1  }
0xc6: {  	_ =	sfence.sel $0xFFFF  }
0xc7: {  	[dreg:$0x0] =	wrdreg $0xFFFFFFFF;
	(pc) =	sbr.abs _section_cstart, $3  }
0xc8: {  	[dreg:$0x1] =	wrdreg $0xFFFFFFFF  }
0xc9: {  	_ =	task.clear_ibuf [dreg:s11], $0x2FFFF;
	_ =	strace $0x9FFFFFFF  }
0xca: {  	(tm) =	ssettm $0x7FFFFFFF  }
0xcb: {  	_ =	shalt  }
tec
execute0_lowered:
.L_overlay_start_1:
0x0: {  	(tag) =	ssettag $0x1  }
0x1: {  	s0 =	rddreg [dreg:$0x0]  }
0x2: {  	s3 =	rddreg [dreg:$0x1]  }
0x3: {  	s10 =	rddreg [dreg:$0x2]  }
0x4: {  	s7 =	rddreg [dreg:$0x3]  }
0x5: {  	s1 =	rddreg [dreg:$0x4]  }
0x6: {  	s11 =	rddreg [dreg:$0x5];
	s2 =	simm.s32 $0x0  }
0x7: {  	s5 =	srdreg.scid;
	s6 =	stileid.u32;
	s15 =	simm.s32 $0x1000  }
0x8: {  	s16 =	simm.s32 $0x20000;
	s17 =	simm.s32 $0x800;
	s18 =	simm.s32 $0x2800  }
0x9: {  	s19 =	simm.s32 $0x2880;
	s20 =	simm.s32 $0x2900;
	s21 =	simm.s32 $0x1  }
0xa: {  	s22 =	simm.s32 $0x2;
	s23 =	simm.s32 $0x2980;
	s24 =	simm.s32 $0x0  }
0xb: {  	[smem:$0x7FF] =	sst s2;
	s4 =	sadd.s32 $0xC00, s7;
	s8 =	sand.u32 $0x1, s5  }
0xc: {  	s5 =	sadd.s32 $0x1F600, s7;
	s9 =	sshll.u32 s6, $0xA;
	s6 =	sadd.s32 $0x3E000, s7  }
0xd: {  	s7 =	sadd.s32 $0x3E200, s7;
	s12 =	sshll.u32 s8, $0x9;
	s8 =	ssub.s32 $0x2, s8  }
0xe: {  	_ =	strace $0x80000047;
	s12 =	sor.u32 s12, s9;
	s31 =	sshrl.u32 s8, $0x1  }
0xf: {  	s13 =	sshrl.u32 s12, $0x3;
	s14 =	ssub.s32 s8, s31;
	s10 =	sadd.s32 s10, s12  }
0x10: {  	s8 =	sadd.s32 s0, s13;
	s9 =	sadd.s32 s3, s13;
	s11 =	sadd.s32 s11, s13  }
0x11: {  	s12 =	smax.u32 s14, $0x1;
	s13 =	simm.s32 $0x3;
	s14 =	simm.s32 $0x200  }
.LBB2_1:
0x12: {  	[tilespmem:s2], [sflag:$0x3] =	stream.linear.gather [hbm4b:s8+s2], $0x200, $0x38;
	[tilespmem:$0x2B80] =	vst v63  }
0x13: {  	_ =	swait.ge [sflag:s13], $0x200  }
0x14: {  	[sflag:s13] =	ssyncset.done $0x0  }
0x15: {  	[sflag:s13] =	ssyncadd.s32 $0xFFFFFE00  }
0x16: {  	[tilespmem:s14], [sflag:$0x3] =	stream.linear.gather [hbm4b:s9+s2], $0x200, $0x38;
	[tilespmem:$0x2B80] =	vst v63  }
0x17: {  	_ =	swait.ge [sflag:s13], $0x200  }
0x18: {  	[sflag:s13] =	ssyncset.done $0x0  }
0x19: {  	s0 =	simm.s32 $0x400;
	[sflag:s13] =	ssyncadd.s32 $0xFFFFFE00  }
0x1a: {  	[tilespmem:s0], [sflag:$0x1] =	stream.indirect.gather [hbm4b:s4+s14], $0x1, s2, s14, $0xb8;
	[tilespmem:$0x2B80] =	vst v63  }
0x1b: {  	s3 =	simm.s32 $0x600  }
0x1c: {  	[tilespmem:s3], [sflag:$0x2] =	stream.indirect.gather [hbm4b:s5+s14], $0x1, s14, s14, $0xb8;
	[tilespmem:$0x2B80] =	vst v63  }
0x1d: {  	_ = 	snop  }
0x1e: {  	[tilespmem:s17], [sflag:$0x3] =	stream.strided.gather [hbm4b:s10+s15], $0x2000, s16, s15, $0x38;
	[tilespmem:$0x2B80] =	vst v63  }
0x1f: {  	_ =	swait.ge [sflag:s13], $0x2000  }
0x20: {  	[sflag:s13] =	ssyncset.done $0x0  }
0x21: {  	[sflag:s13] =	ssyncadd.s32 $0xFFFFE000  }
0x22: {  	[tilespmem:s18], [sflag:$0x3] =	stream.linear.gather [hbm4b:s1+s2], $0x80, $0x38;
	[tilespmem:$0x2B80] =	vst v63  }
0x23: {  	_ =	swait.ge [sflag:s13], $0x80  }
0x24: {  	[sflag:s13] =	ssyncset.done $0x0  }
0x25: {  	[sflag:s13] =	ssyncadd.s32 $0xFFFFFF80  }
0x26: {  	[tilespmem:s19], [sflag:$0x3] =	stream.linear.gather [hbm4b:s6+s2], $0x80, $0x38;
	[tilespmem:$0x2B80] =	vst v63  }
0x27: {  	_ =	swait.ge [sflag:s13], $0x80  }
0x28: {  	[sflag:s13] =	ssyncset.done $0x0  }
0x29: {  	[sflag:s13] =	ssyncadd.s32 $0xFFFFFF80  }
0x2a: {  	[tilespmem:s20], [sflag:$0x3] =	stream.linear.gather [hbm4b:s7+s2], $0x80, $0x38;
	[tilespmem:$0x2B80] =	vst v63  }
0x2b: {  	_ =	swait.ge [sflag:s13], $0x80  }
0x2c: {  	[sflag:s13] =	ssyncset.done $0x0  }
0x2d: {  	[sflag:s13] =	ssyncadd.s32 $0xFFFFFF80  }
0x2e: {  	v16 =	vld [tilespmem:$0x2840]  }
0x2f: {  	v0 =	vld [tilespmem:$0x2880]  }
0x30: {  	v1 =	vld [tilespmem:$0x2900];
	_ =	swait.ge [sflag:s21], $0x200  }
0x31: {  	[sflag:s21] =	ssyncset.done $0x0  }
0x32: {  	[sflag:s21] =	ssyncadd.s32 $0xFFFFFE00  }
0x33: {  	_ =	swait.ge [sflag:s22], $0x200  }
0x34: {  	[sflag:s22] =	ssyncset.done $0x0  }
0x35: {  	[sflag:s22] =	ssyncadd.s32 $0xFFFFFE00  }
0x36: {  	v2 =	vld [tilespmem:s3+$0x0]  }
0x37: {  	s26 =	sand.u32 $0x70, s2;
	s25 =	sand.u32 $0xC00, s2;
	v3 =	vld [tilespmem:s0+$0x0]  }
0x38: {  	s0 =	sor.u32 s26, s25  }
0x39: {  	v4 =	vld [tilespmem:s0+$0x800];
	_ =	sdelay $0x1  }
0x3a: {  	v5 =	vld [tilespmem:s0+$0x880]  }
0x3b: {  	v0 =	vadd.f32 v1, v0;
	v1 =	vbroadcast v16, $0x0;
	v3 =	vadd.f32 v2, v3  }
0x3c: {  	v6 =	vld [tilespmem:s0+$0x900]  }
0x3d: {  	v2 =	vbroadcast v16, $0x1;
	v4 =	vmul.f32 v4, v1;
	v7 =	vadd.f32 v3, v0  }
0x3e: {  	v8 =	vld [tilespmem:s0+$0x980]  }
0x3f: {  	v3 =	vbroadcast v16, $0x2;
	v5 =	vmul.f32 v5, v2;
	v7 =	vadd.f32 v4, v7  }
0x40: {  	v9 =	vld [tilespmem:s0+$0xA00]  }
0x41: {  	v4 =	vbroadcast v16, $0x3;
	v6 =	vmul.f32 v6, v3;
	v7 =	vadd.f32 v5, v7  }
0x42: {  	v10 =	vld [tilespmem:s0+$0xA80]  }
0x43: {  	v5 =	vbroadcast v16, $0x4;
	v8 =	vmul.f32 v8, v4;
	v7 =	vadd.f32 v6, v7  }
0x44: {  	s26 =	sor.u32 s2, s2;
	v11 =	vld [tilespmem:s0+$0xB00]  }
0x45: {  	s3 =	sor.u32 $0x380, s26;
	v6 =	vbroadcast v16, $0x5;
	v9 =	vmul.f32 v9, v5;
	v8 =	vadd.f32 v8, v7  }
0x46: {  	v12 =	vld [tilespmem:s3+$0x800]  }
0x47: {  	v7 =	vbroadcast v16, $0x6;
	v10 =	vmul.f32 v10, v6;
	v9 =	vadd.f32 v9, v8  }
0x48: {  	v13 =	vld [tilespmem:s0+$0x1800]  }
0x49: {  	v8 =	vbroadcast v16, $0x7;
	v11 =	vmul.f32 v11, v7;
	v10 =	vadd.f32 v10, v9  }
0x4a: {  	v14 =	vld [tilespmem:s0+$0x1880]  }
0x4b: {  	v9 =	vbroadcast v16, $0x8;
	v12 =	vmul.f32 v12, v8;
	v11 =	vadd.f32 v11, v10  }
0x4c: {  	v15 =	vld [tilespmem:s0+$0x1900]  }
0x4d: {  	v10 =	vbroadcast v16, $0x9;
	v13 =	vmul.f32 v13, v9;
	v12 =	vadd.f32 v12, v11  }
0x4e: {  	v17 =	vld [tilespmem:s0+$0x1980]  }
0x4f: {  	v11 =	vbroadcast v16, $0xA;
	v14 =	vmul.f32 v14, v10;
	v13 =	vadd.f32 v13, v12  }
0x50: {  	v18 =	vld [tilespmem:s0+$0x1A00]  }
0x51: {  	v12 =	vbroadcast v16, $0xB;
	v15 =	vmul.f32 v15, v11;
	v14 =	vadd.f32 v14, v13  }
0x52: {  	v19 =	vld [tilespmem:s0+$0x1A80]  }
0x53: {  	v13 =	vbroadcast v16, $0xC;
	v17 =	vmul.f32 v17, v12;
	v15 =	vadd.f32 v15, v14  }
0x54: {  	v20 =	vld [tilespmem:s0+$0x1B00]  }
0x55: {  	v14 =	vbroadcast v16, $0xD;
	v18 =	vmul.f32 v18, v13;
	v17 =	vadd.f32 v17, v15  }
0x56: {  	v21 =	vld [tilespmem:s0+$0x1B80]  }
0x57: {  	v15 =	vbroadcast v16, $0xE;
	v17 =	vadd.f32 v18, v17;
	v18 =	vmul.f32 v19, v14;
	_ =	sdelay $0x1  }
0x58: {  	v16 =	vbroadcast v16, $0xF;
	v17 =	vadd.f32 v18, v17;
	v18 =	vmul.f32 v20, v15;
	_ =	sdelay $0x1  }
0x59: {  	v17 =	vadd.f32 v18, v17;
	v18 =	vmul.f32 v21, v16;
	_ =	sdelay $0x1  }
0x5a: {  	v17 =	vadd.f32 v18, v17;
	_ =	sdelay $0x1  }
0x5b: {  	s29 =	simm.s32 $0x610;
	s28 =	simm.s32 $0x80;
	[tilespmem:s23+$0x0] =	vst v17  }
0x5c: {  	s30 =	simm.s32 $0x410;
	s31 =	simm.s32 $0x20;
	s26 =	simm.s32 $0x10;
	v17 =	vld [tilespmem:s29+$0x0]  }
0x5d: {  	s25 =	simm.s32 $0x2980;
	s0 =	sand.u32 $0x70, s26;
	s3 =	sand.u32 $0xC00, s28;
	v18 =	vld [tilespmem:s30+$0x0]  }
.LBB2_2:
0x5e: {  	p0 =	sne.s32 s31, $0x1F0;
	s0 =	sor.u32 s0, s3  }
0x5f: {  	v19 =	vld [tilespmem:s0+$0x800];
	_ =	sdelay $0x1  }
0x60: {  	v20 =	vld [tilespmem:s0+$0x880]  }
0x61: {  	v17 =	vadd.f32 v17, v18  }
0x62: {  	v18 =	vld [tilespmem:s0+$0x900]  }
0x63: {  	v17 =	vadd.f32 v17, v0;
	v19 =	vmul.f32 v19, v1  }
0x64: {  	v21 =	vld [tilespmem:s0+$0x980]  }
0x65: {  	v17 =	vadd.f32 v19, v17;
	v19 =	vmul.f32 v20, v2  }
0x66: {  	v20 =	vld [tilespmem:s0+$0xA00]  }
0x67: {  	v17 =	vadd.f32 v19, v17;
	v18 =	vmul.f32 v18, v3  }
0x68: {  	v19 =	vld [tilespmem:s0+$0xA80]  }
0x69: {  	v17 =	vadd.f32 v18, v17;
	v18 =	vmul.f32 v21, v4  }
0x6a: {  	s3 =	sor.u32 s28, s26;
	s26 =	smov.u32 s31;
	v21 =	vld [tilespmem:s0+$0xB00]  }
0x6b: {  	s3 =	sor.u32 $0x380, s3;
	v17 =	vadd.f32 v18, v17;
	v18 =	vmul.f32 v20, v5  }
0x6c: {  	v20 =	vld [tilespmem:s3+$0x800]  }
0x6d: {  	v17 =	vadd.f32 v18, v17;
	v18 =	vmul.f32 v19, v6  }
0x6e: {  	v19 =	vld [tilespmem:s0+$0x1800]  }
0x6f: {  	v17 =	vadd.f32 v18, v17;
	v18 =	vmul.f32 v21, v7  }
0x70: {  	v21 =	vld [tilespmem:s0+$0x1880]  }
0x71: {  	v17 =	vadd.f32 v18, v17;
	v18 =	vmul.f32 v20, v8  }
0x72: {  	v20 =	vld [tilespmem:s0+$0x1900]  }
0x73: {  	v17 =	vadd.f32 v18, v17;
	v18 =	vmul.f32 v19, v9  }
0x74: {  	v19 =	vld [tilespmem:s0+$0x1980]  }
0x75: {  	v17 =	vadd.f32 v18, v17;
	v18 =	vmul.f32 v21, v10  }
0x76: {  	v21 =	vld [tilespmem:s0+$0x1A00]  }
0x77: {  	v17 =	vadd.f32 v18, v17;
	v18 =	vmul.f32 v20, v11  }
0x78: {  	v20 =	vld [tilespmem:s0+$0x1A80]  }
0x79: {  	v17 =	vadd.f32 v18, v17;
	v18 =	vmul.f32 v19, v12  }
0x7a: {  	v19 =	vld [tilespmem:s0+$0x1B00]  }
0x7b: {  	v17 =	vadd.f32 v18, v17;
	v18 =	vmul.f32 v21, v13  }
0x7c: {  	v21 =	vld [tilespmem:s0+$0x1B80]  }
0x7d: {  	v17 =	vadd.f32 v18, v17;
	v18 =	vmul.f32 v20, v14;
	_ =	sdelay $0x1  }
0x7e: {  	v17 =	vadd.f32 v18, v17;
	v18 =	vmul.f32 v19, v15;
	_ =	sdelay $0x1  }
0x7f: {  	v17 =	vadd.f32 v18, v17;
	v18 =	vmul.f32 v21, v16;
	_ =	sdelay $0x1  }
.Ltmp0:
0x80: {  	v17 =	vadd.f32 v18, v17;
	(pc) =	sbr.rel @p0 .LBB2_2-.Ltmp0, $4  }
0x81: {  	s25 =	sadd.s32 $0x10, s25  }
0x82: {  	s29 =	sadd.s32 $0x10, s29;
	[tilespmem:s25+$0x0] =	vst v17  }
0x83: {  	s28 =	sadd.s32 $0x80, s28;
	s30 =	sadd.s32 $0x10, s30;
	v17 =	vld [tilespmem:s29+$0x0]  }
0x84: {  	s31 =	sadd.s32 $0x10, s31;
	s3 =	sand.u32 $0xC00, s28;
	s0 =	sand.u32 $0x70, s26;
	v18 =	vld [tilespmem:s30+$0x0]  }
0x85: {  	s0 =	sor.u32 s0, s3  }
0x86: {  	v19 =	vld [tilespmem:s0+$0x800];
	_ =	sdelay $0x1  }
0x87: {  	v20 =	vld [tilespmem:s0+$0x880]  }
0x88: {  	v17 =	vadd.f32 v17, v18  }
0x89: {  	v35 =	vld [tilespmem:s0+$0x900]  }
0x8a: {  	v0 =	vadd.f32 v17, v0;
	v1 =	vmul.f32 v19, v1  }
0x8b: {  	v36 =	vld [tilespmem:s0+$0x980]  }
0x8c: {  	v37 =	vmul.f32 v20, v2;
	v0 =	vadd.f32 v1, v0  }
0x8d: {  	v38 =	vld [tilespmem:s0+$0xA00]  }
0x8e: {  	v39 =	vmul.f32 v35, v3;
	v0 =	vadd.f32 v37, v0  }
0x8f: {  	v40 =	vld [tilespmem:s0+$0xA80]  }
0x90: {  	v41 =	vmul.f32 v36, v4;
	v0 =	vadd.f32 v39, v0  }
0x91: {  	s30 =	sor.u32 s28, s26;
	v42 =	vld [tilespmem:s0+$0xB00]  }
0x92: {  	s3 =	sor.u32 $0x380, s30;
	v43 =	vmul.f32 v38, v5;
	v0 =	vadd.f32 v41, v0  }
0x93: {  	v44 =	vld [tilespmem:s3+$0x800]  }
0x94: {  	v45 =	vmul.f32 v40, v6;
	v0 =	vadd.f32 v43, v0  }
0x95: {  	v46 =	vld [tilespmem:s0+$0x1800]  }
0x96: {  	v47 =	vmul.f32 v42, v7;
	v0 =	vadd.f32 v45, v0  }
0x97: {  	v48 =	vld [tilespmem:s0+$0x1880]  }
0x98: {  	v49 =	vmul.f32 v44, v8;
	v0 =	vadd.f32 v47, v0  }
0x99: {  	v50 =	vld [tilespmem:s0+$0x1900]  }
0x9a: {  	v51 =	vmul.f32 v46, v9;
	v0 =	vadd.f32 v49, v0  }
0x9b: {  	v52 =	vld [tilespmem:s0+$0x1980]  }
0x9c: {  	v53 =	vmul.f32 v48, v10;
	v0 =	vadd.f32 v51, v0  }
0x9d: {  	v54 =	vld [tilespmem:s0+$0x1A00]  }
0x9e: {  	v55 =	vmul.f32 v50, v11;
	v0 =	vadd.f32 v53, v0  }
0x9f: {  	v56 =	vld [tilespmem:s0+$0x1A80]  }
0xa0: {  	v57 =	vmul.f32 v52, v12;
	v0 =	vadd.f32 v55, v0  }
0xa1: {  	v58 =	vld [tilespmem:s0+$0x1B00]  }
0xa2: {  	v59 =	vmul.f32 v54, v13;
	v0 =	vadd.f32 v57, v0  }
0xa3: {  	v60 =	vld [tilespmem:s0+$0x1B80]  }
0xa4: {  	v61 =	vmul.f32 v56, v14;
	v0 =	vadd.f32 v59, v0;
	_ =	sdelay $0x1  }
0xa5: {  	v62 =	vmul.f32 v58, v15;
	v0 =	vadd.f32 v61, v0;
	_ =	sdelay $0x1  }
0xa6: {  	v63 =	vmul.f32 v60, v16;
	v0 =	vadd.f32 v62, v0;
	_ =	sdelay $0x1  }
0xa7: {  	s24 =	sadd.s32 $0x1, s24;
	v0 =	vadd.f32 v63, v0  }
0xa8: {  	s31 =	sadd.s32 $0x10, s25;
	p0 =	sne.s32 s24, s12  }
.Ltmp1:
0xa9: {  	[tilespmem:s31+$0x0] =	vst v0;
	(pc) =	sbr.rel @p0 .LBB2_1-.Ltmp1, $4  }
0xaa: {  	[hbm4b:s11+s2] =	stream.linear.scatter [tilespmem:s23], [sflag:$0x3], $0x200, $0x38;
	[tilespmem:$0x2B80] =	vst v63  }
0xab: {  	_ =	swait.ge [sflag:s13], $0x200  }
0xac: {  	[sflag:s13] =	ssyncset.done $0x0  }
0xad: {  	[sflag:s13] =	ssyncadd.s32 $0xFFFFFE00  }
0xae: {  	_ =	sfence.sel $0x180000  }
0xaf: {  	[bflag:$0x0] =	sbarrier.arrive $0xFFFF  }
0xb0: {  	_ =	strace $0x90000047  }
0xb1: {  	s0 =	stileid.u32;
	[bflag:$0x2] =	sbarrier.arrive $0xFFFF  }
0xb2: {  	p0 =	sne.s32 s0, $0x0;
	s0 =	rddreg [dreg:$0x6]  }
0xb3: {  	s0 =	sadd.s32 @!p0 $0x100000, s0  }
0xb4: {  	[sflag:s0] =	ssyncadd.tile.s32 @!p0 $0x1;
	_ =	shalt  }
.Lfunc_end2:
_tile_overlayer_lowered:
.L_overlay_start_2:
0xb5: {  	(tag) =	ssettag $0x2  }
0xb6: {  	s0 =	rddreg [dreg:$0x0];
	s2 =	stileid.u32  }
0xb7: {  	s1 =	rddreg [dreg:$0x1];
	p0 =	sne.s32 s2, $0x0  }
0xb8: {  	s3 =	rddreg [dreg:$0x2];
	[bflag:$0x3] =	sbarrier.arrive $0xFFFF;
	s2 =	simm.s32 @!p0 $0x1C03  }
0xb9: {  	[timem:s3], [sflag:s2] =	dma.local @!p0 [hbm:s0], s1  }
0xba: {  	s0 =	simm.s32 @!p0 $0x3  }
0xbb: {  	_ =	swait.ge @!p0 [sflag:s0], s1  }
0xbc: {  	s1 =	ssub.s32 @!p0 $0x0, s1;
	[sflag:s0] =	ssyncset.done @!p0 $0x0  }
0xbd: {  	[sflag:s0] =	ssyncadd.s32 @!p0 s1  }
0xbe: {  	[bflag:$0x3] =	sbarrier.arrive $0xFFFF  }
0xbf: {  	_ =	shalt  }

</sc_bundles>
